<compile_context>
chip_gen: v7x
topology: tpu7x:2x2x1
jax: 0.10.2.dev20260603
libtpu: 0.0.44.dev20260713+nightly
codegen_flags: <defaults>
</compile_context>

<pallas_src>
import functools

import jax
import jax.numpy as jnp
from jax import lax
from jax.experimental import pallas as pl
from jax.experimental.pallas import tpu as pltpu
from jax.experimental.pallas import tpu_sc as plsc

NUM_EMB = 100000
DIM = 32
BATCH = 16384

QUARTER = BATCH // 4
LANES = 16
UNROLL = 8


@functools.lru_cache(maxsize=None)
def _build_gather():
    info = plsc.get_sparse_core_info()
    nw = info.num_cores * info.num_subcores
    assert nw == DIM
    mesh = plsc.VectorSubcoreMesh(core_axis_name="c", subcore_axis_name="s")

    @functools.partial(
        pl.kernel,
        mesh=mesh,
        out_type=jax.ShapeDtypeStruct((DIM, BATCH), jnp.float32),
        scratch_types=[
            pltpu.VMEM((NUM_EMB,), jnp.float32),
            pltpu.VMEM((BATCH,), jnp.int32),
            pltpu.VMEM((2, QUARTER), jnp.float32),
            pltpu.SemaphoreType.DMA,
            pltpu.SemaphoreType.DMA,
            pltpu.SemaphoreType.DMA,
        ],
        compiler_params=pltpu.CompilerParams(needs_layout_passes=False),
    )
    def gather(idx_hbm, tablet_hbm, outt_hbm, row_v, idx_v, out_v, sem_r,
               sem_a, sem_b):
        c = lax.axis_index("s") * info.num_cores + lax.axis_index("c")
        cp_row = pltpu.async_copy(tablet_hbm.at[c], row_v, sem_r)
        pltpu.sync_copy(idx_hbm, idx_v)
        cp_row.wait()

        out_sems = (sem_a, sem_b)
        prev = None
        for h in range(4):
            base = h * QUARTER

            @plsc.parallel_loop(0, QUARTER // LANES, unroll=UNROLL)
            def body(j):
                off = j * LANES
                iv = idx_v[pl.ds(base + off, LANES)]
                out_v[h % 2, pl.ds(off, LANES)] = (
                    plsc.load_gather(row_v, [iv]))
            if prev is not None:
                prev.wait()
            prev = pltpu.async_copy(
                out_v.at[h % 2], outt_hbm.at[c, pl.ds(base, QUARTER)],
                out_sems[h % 2])
        prev.wait()

    return gather


def kernel(x, table):
    outt = _build_gather()(x.astype(jnp.int32), table.T)
    return outt.T

# --- scband reference (transcript-rebuilt; emitter-appended) ---
"""Pipeline reference for scband-condition-embedding-54425825575107 (READ-ONLY COPY).

The authoritative reference and input builder live on the scoring server;
editing this copy changes nothing except your own understanding.
"""

import jax, jax.numpy as jnp
import numpy as np

NUM_EMBEDDINGS = 100000
EMBEDDING_DIM = 32
BATCH = 16384

def setup_inputs(seed: int = 0) -> dict:
    key = jax.random.key(seed)
    k_idx, k_tab = jax.random.split(key)
    x = jax.random.randint(k_idx, (BATCH,), 0, NUM_EMBEDDINGS, dtype=jnp.int64 if jax.config.jax_enable_x64 else jnp.int32)
    table = jax.random.normal(k_tab, (NUM_EMBEDDINGS, EMBEDDING_DIM), dtype=jnp.float32)
    return {"x": x, "table": table}

def reference(x, table):
    # nn.Embedding forward: row gather from the embedding table
    return jnp.take(table, x, axis=0)

if __name__ == "__main__":
    import jax
    _d = setup_inputs()
    print(jax.jit(kernel)(*tuple(_d.values())))

</pallas_src>

<mosaic_0001>
#map = affine_map<(d0, d1) -> (0)>
#map1 = affine_map<(d0, d1) -> (0, 0)>
module attributes {stable_mosaic.version = 14 : i64} {
  func.func @gather(%arg0: i32, %arg1: i32, %arg2: memref<16384xi32, #tpu.memory_space<hbm>>, %arg3: memref<32x100000xf32, #tpu.memory_space<hbm>>, %arg4: memref<32x16384xf32, #tpu.memory_space<hbm>>, %arg5: memref<100000xf32, #tpu.memory_space<vmem>>, %arg6: memref<16384xi32, #tpu.memory_space<vmem>>, %arg7: memref<2x4096xf32, #tpu.memory_space<vmem>>, %arg8: memref<!tpu.dma_semaphore, #tpu.memory_space<semaphore_mem>>, %arg9: memref<!tpu.dma_semaphore, #tpu.memory_space<semaphore_mem>>, %arg10: memref<!tpu.dma_semaphore, #tpu.memory_space<semaphore_mem>>) attributes {dimension_semantics = [#tpu.dimension_semantics<core_parallel>, #tpu.dimension_semantics<subcore_parallel>], iteration_bounds = array<i64: 2, 16>, scalar_prefetch = 0 : i64, scratch_operands = 6 : i64, tpu.core_type = #tpu.core_type<sc_vector_subcore>, window_params = [{transform_indices = #map}, {transform_indices = #map1}, {transform_indices = #map1}]} {
    %mul3A = arith.constant 2 : i32
    %mul3A_0 = arith.muli %arg1, %mul3A : i32
    %add3A = arith.addi %mul3A_0, %arg0 : i32
    %dma_start3A = arith.constant 0 : i32
    %dma_start3A_1 = tpu.memref_slice %arg3[%add3A, %dma_start3A] : memref<32x100000xf32, #tpu.memory_space<hbm>> -> memref<1x100000xf32, #tpu.memory_space<hbm>>
    %dma_start3A_2 = tpu.memref_squeeze %dma_start3A_1 : memref<1x100000xf32, #tpu.memory_space<hbm>> -> memref<100000xf32, #tpu.memory_space<hbm>>
    %dma_start3A_3 = arith.constant 0 : i32
    %dma_start3A_4 = tpu.memref_slice %arg3[%add3A, %dma_start3A_3] : memref<32x100000xf32, #tpu.memory_space<hbm>> -> memref<1x100000xf32, #tpu.memory_space<hbm>>
    %dma_start3A_5 = tpu.memref_squeeze %dma_start3A_4 : memref<1x100000xf32, #tpu.memory_space<hbm>> -> memref<100000xf32, #tpu.memory_space<hbm>>
    tpu.enqueue_dma source(%dma_start3A_5 : memref<100000xf32, #tpu.memory_space<hbm>>) target(%arg5 : memref<100000xf32, #tpu.memory_space<vmem>>) target_semaphore(%arg8 : memref<!tpu.dma_semaphore, #tpu.memory_space<semaphore_mem>>)
    "tpu.region"() ({
      %run_scoped3A = tpu.sem_alloc : memref<!tpu.dma_semaphore, #tpu.memory_space<semaphore_mem>>
      tpu.enqueue_dma source(%arg2 : memref<16384xi32, #tpu.memory_space<hbm>>) target(%arg6 : memref<16384xi32, #tpu.memory_space<vmem>>) target_semaphore(%run_scoped3A : memref<!tpu.dma_semaphore, #tpu.memory_space<semaphore_mem>>)
      tpu.wait_dma2 semaphore(%run_scoped3A : memref<!tpu.dma_semaphore, #tpu.memory_space<semaphore_mem>>) src(%arg2 : memref<16384xi32, #tpu.memory_space<hbm>>) dst(%arg6 : memref<16384xi32, #tpu.memory_space<vmem>>)
      tpu.yield
    }) : () -> ()
    %dma_wait3A = arith.constant 0 : i32
    %dma_wait3A_6 = tpu.memref_slice %arg3[%add3A, %dma_wait3A] : memref<32x100000xf32, #tpu.memory_space<hbm>> -> memref<1x100000xf32, #tpu.memory_space<hbm>>
    %dma_wait3A_7 = tpu.memref_squeeze %dma_wait3A_6 : memref<1x100000xf32, #tpu.memory_space<hbm>> -> memref<100000xf32, #tpu.memory_space<hbm>>
    %dma_wait3A_8 = arith.constant 0 : i32
    %dma_wait3A_9 = tpu.memref_slice %arg3[%add3A, %dma_wait3A_8] : memref<32x100000xf32, #tpu.memory_space<hbm>> -> memref<1x100000xf32, #tpu.memory_space<hbm>>
    %dma_wait3A_10 = tpu.memref_squeeze %dma_wait3A_9 : memref<1x100000xf32, #tpu.memory_space<hbm>> -> memref<100000xf32, #tpu.memory_space<hbm>>
    tpu.wait_dma2 semaphore(%arg8 : memref<!tpu.dma_semaphore, #tpu.memory_space<semaphore_mem>>) src(%dma_wait3A_10 : memref<100000xf32, #tpu.memory_space<hbm>>) dst(%arg5 : memref<100000xf32, #tpu.memory_space<vmem>>)
    %parallel_loop3A = arith.constant 0 : i32
    %parallel_loop3A_11 = arith.constant 256 : i32
    %parallel_loop3A_12 = arith.constant 1 : i32
    scf.for %parallel_loop3A_126 = %parallel_loop3A to %parallel_loop3A_11 step %parallel_loop3A_12  : i32 {
      %parallel_loop3A_127 = arith.constant 16 : i32
      %parallel_loop3A_128 = arith.muli %parallel_loop3A_126, %parallel_loop3A_127 : i32
      %parallel_loop3A_129 = arith.constant 0 : i32
      %parallel_loop3A_130 = arith.addi %parallel_loop3A_129, %parallel_loop3A_128 : i32
      %parallel_loop3A_131 = arith.index_cast %parallel_loop3A_130 : i32 to index
      %parallel_loop3A_132 = tpu.vector_load %arg6[%parallel_loop3A_131] {strides = array<i32>} : memref<16384xi32, #tpu.memory_space<vmem>>, vector<16xi32>,
      %parallel_loop3A_133 = tpu.vector_load_idx %arg5[%parallel_loop3A_132] : memref<100000xf32, #tpu.memory_space<vmem>>[vector<16xi32>], vector<16xf32>,
      %parallel_loop3A_134 = arith.constant 0 : i32
      %parallel_loop3A_135 = arith.index_cast %parallel_loop3A_134 : i32 to index
      %parallel_loop3A_136 = arith.index_cast %parallel_loop3A_128 : i32 to index
      %parallel_loop3A_137 = tpu.vector_load %arg7[%parallel_loop3A_135, %parallel_loop3A_136] {strides = array<i32>} : memref<2x4096xf32, #tpu.memory_space<vmem>>, vector<16xf32>,
      tpu.vector_store %arg7[%parallel_loop3A_135, %parallel_loop3A_136], %parallel_loop3A_133 {strides = array<i32>} : memref<2x4096xf32, #tpu.memory_space<vmem>>, vector<16xf32>,
    } {sc.loop_unroll_factor = 8 : i64, sc.parallel_access}
    %dma_start3A_13 = arith.constant 0 : i32
    %dma_start3A_14 = arith.constant 0 : i32
    %dma_start3A_15 = tpu.memref_slice %arg7[%dma_start3A_13, %dma_start3A_14] : memref<2x4096xf32, #tpu.memory_space<vmem>> -> memref<1x4096xf32, #tpu.memory_space<vmem>>
    %dma_start3A_16 = tpu.memref_squeeze %dma_start3A_15 : memref<1x4096xf32, #tpu.memory_space<vmem>> -> memref<4096xf32, #tpu.memory_space<vmem>>
    %dma_start3A_17 = arith.constant 0 : i32
    %dma_start3A_18 = tpu.memref_slice %arg4[%add3A, %dma_start3A_17] : memref<32x16384xf32, #tpu.memory_space<hbm>> -> memref<1x4096xf32, #tpu.memory_space<hbm>>
    %dma_start3A_19 = tpu.memref_squeeze %dma_start3A_18 : memref<1x4096xf32, #tpu.memory_space<hbm>> -> memref<4096xf32, #tpu.memory_space<hbm>>
    %dma_start3A_20 = arith.constant 0 : i32
    %dma_start3A_21 = tpu.memref_slice %arg4[%add3A, %dma_start3A_20] : memref<32x16384xf32, #tpu.memory_space<hbm>> -> memref<1x4096xf32, #tpu.memory_space<hbm>>
    %dma_start3A_22 = tpu.memref_squeeze %dma_start3A_21 : memref<1x4096xf32, #tpu.memory_space<hbm>> -> memref<4096xf32, #tpu.memory_space<hbm>>
    %dma_start3A_23 = arith.constant 0 : i32
    %dma_start3A_24 = tpu.memref_slice %arg7[%dma_start3A_13, %dma_start3A_23] : memref<2x4096xf32, #tpu.memory_space<vmem>> -> memref<1x4096xf32, #tpu.memory_space<vmem>>
    %dma_start3A_25 = tpu.memref_squeeze %dma_start3A_24 : memref<1x4096xf32, #tpu.memory_space<vmem>> -> memref<4096xf32, #tpu.memory_space<vmem>>
    tpu.enqueue_dma source(%dma_start3A_25 : memref<4096xf32, #tpu.memory_space<vmem>>) target(%dma_start3A_22 : memref<4096xf32, #tpu.memory_space<hbm>>) target_semaphore(%arg9 : memref<!tpu.dma_semaphore, #tpu.memory_space<semaphore_mem>>)
    %parallel_loop3A_26 = arith.constant 0 : i32
    %parallel_loop3A_27 = arith.constant 256 : i32
    %parallel_loop3A_28 = arith.constant 1 : i32
    scf.for %parallel_loop3A_126 = %parallel_loop3A_26 to %parallel_loop3A_27 step %parallel_loop3A_28  : i32 {
      %parallel_loop3A_127 = arith.constant 16 : i32
      %parallel_loop3A_128 = arith.muli %parallel_loop3A_126, %parallel_loop3A_127 : i32
      %parallel_loop3A_129 = arith.constant 4096 : i32
      %parallel_loop3A_130 = arith.addi %parallel_loop3A_129, %parallel_loop3A_128 : i32
      %parallel_loop3A_131 = arith.index_cast %parallel_loop3A_130 : i32 to index
      %parallel_loop3A_132 = tpu.vector_load %arg6[%parallel_loop3A_131] {strides = array<i32>} : memref<16384xi32, #tpu.memory_space<vmem>>, vector<16xi32>,
      %parallel_loop3A_133 = tpu.vector_load_idx %arg5[%parallel_loop3A_132] : memref<100000xf32, #tpu.memory_space<vmem>>[vector<16xi32>], vector<16xf32>,
      %parallel_loop3A_134 = arith.constant 1 : i32
      %parallel_loop3A_135 = arith.index_cast %parallel_loop3A_134 : i32 to index
      %parallel_loop3A_136 = arith.index_cast %parallel_loop3A_128 : i32 to index
      %parallel_loop3A_137 = tpu.vector_load %arg7[%parallel_loop3A_135, %parallel_loop3A_136] {strides = array<i32>} : memref<2x4096xf32, #tpu.memory_space<vmem>>, vector<16xf32>,
      tpu.vector_store %arg7[%parallel_loop3A_135, %parallel_loop3A_136], %parallel_loop3A_133 {strides = array<i32>} : memref<2x4096xf32, #tpu.memory_space<vmem>>, vector<16xf32>,
    } {sc.loop_unroll_factor = 8 : i64, sc.parallel_access}
    %dma_wait3A_29 = arith.constant 0 : i32
    %dma_wait3A_30 = arith.constant 0 : i32
    %dma_wait3A_31 = tpu.memref_slice %arg7[%dma_wait3A_29, %dma_wait3A_30] : memref<2x4096xf32, #tpu.memory_space<vmem>> -> memref<1x4096xf32, #tpu.memory_space<vmem>>
    %dma_wait3A_32 = tpu.memref_squeeze %dma_wait3A_31 : memref<1x4096xf32, #tpu.memory_space<vmem>> -> memref<4096xf32, #tpu.memory_space<vmem>>
    %dma_wait3A_33 = arith.constant 0 : i32
    %dma_wait3A_34 = tpu.memref_slice %arg4[%add3A, %dma_wait3A_33] : memref<32x16384xf32, #tpu.memory_space<hbm>> -> memref<1x4096xf32, #tpu.memory_space<hbm>>
    %dma_wait3A_35 = tpu.memref_squeeze %dma_wait3A_34 : memref<1x4096xf32, #tpu.memory_space<hbm>> -> memref<4096xf32, #tpu.memory_space<hbm>>
    %dma_wait3A_36 = arith.constant 0 : i32
    %dma_wait3A_37 = tpu.memref_slice %arg4[%add3A, %dma_wait3A_36] : memref<32x16384xf32, #tpu.memory_space<hbm>> -> memref<1x4096xf32, #tpu.memory_space<hbm>>
    %dma_wait3A_38 = tpu.memref_squeeze %dma_wait3A_37 : memref<1x4096xf32, #tpu.memory_space<hbm>> -> memref<4096xf32, #tpu.memory_space<hbm>>
    %dma_wait3A_39 = arith.constant 0 : i32
    %dma_wait3A_40 = tpu.memref_slice %arg7[%dma_wait3A_29, %dma_wait3A_39] : memref<2x4096xf32, #tpu.memory_space<vmem>> -> memref<1x4096xf32, #tpu.memory_space<vmem>>
    %dma_wait3A_41 = tpu.memref_squeeze %dma_wait3A_40 : memref<1x4096xf32, #tpu.memory_space<vmem>> -> memref<4096xf32, #tpu.memory_space<vmem>>
    tpu.wait_dma2 semaphore(%arg9 : memref<!tpu.dma_semaphore, #tpu.memory_space<semaphore_mem>>) src(%dma_wait3A_41 : memref<4096xf32, #tpu.memory_space<vmem>>) dst(%dma_wait3A_38 : memref<4096xf32, #tpu.memory_space<hbm>>)
    %dma_start3A_42 = arith.constant 1 : i32
    %dma_start3A_43 = arith.constant 0 : i32
    %dma_start3A_44 = tpu.memref_slice %arg7[%dma_start3A_42, %dma_start3A_43] : memref<2x4096xf32, #tpu.memory_space<vmem>> -> memref<1x4096xf32, #tpu.memory_space<vmem>>
    %dma_start3A_45 = tpu.memref_squeeze %dma_start3A_44 : memref<1x4096xf32, #tpu.memory_space<vmem>> -> memref<4096xf32, #tpu.memory_space<vmem>>
    %dma_start3A_46 = arith.constant 4096 : i32
    %dma_start3A_47 = tpu.memref_slice %arg4[%add3A, %dma_start3A_46] : memref<32x16384xf32, #tpu.memory_space<hbm>> -> memref<1x4096xf32, #tpu.memory_space<hbm>>
    %dma_start3A_48 = tpu.memref_squeeze %dma_start3A_47 : memref<1x4096xf32, #tpu.memory_space<hbm>> -> memref<4096xf32, #tpu.memory_space<hbm>>
    %dma_start3A_49 = arith.constant 4096 : i32
    %dma_start3A_50 = tpu.memref_slice %arg4[%add3A, %dma_start3A_49] : memref<32x16384xf32, #tpu.memory_space<hbm>> -> memref<1x4096xf32, #tpu.memory_space<hbm>>
    %dma_start3A_51 = tpu.memref_squeeze %dma_start3A_50 : memref<1x4096xf32, #tpu.memory_space<hbm>> -> memref<4096xf32, #tpu.memory_space<hbm>>
    %dma_start3A_52 = arith.constant 0 : i32
    %dma_start3A_53 = tpu.memref_slice %arg7[%dma_start3A_42, %dma_start3A_52] : memref<2x4096xf32, #tpu.memory_space<vmem>> -> memref<1x4096xf32, #tpu.memory_space<vmem>>
    %dma_start3A_54 = tpu.memref_squeeze %dma_start3A_53 : memref<1x4096xf32, #tpu.memory_space<vmem>> -> memref<4096xf32, #tpu.memory_space<vmem>>
    tpu.enqueue_dma source(%dma_start3A_54 : memref<4096xf32, #tpu.memory_space<vmem>>) target(%dma_start3A_51 : memref<4096xf32, #tpu.memory_space<hbm>>) target_semaphore(%arg10 : memref<!tpu.dma_semaphore, #tpu.memory_space<semaphore_mem>>)
    %parallel_loop3A_55 = arith.constant 0 : i32
    %parallel_loop3A_56 = arith.constant 256 : i32
    %parallel_loop3A_57 = arith.constant 1 : i32
    scf.for %parallel_loop3A_126 = %parallel_loop3A_55 to %parallel_loop3A_56 step %parallel_loop3A_57  : i32 {
      %parallel_loop3A_127 = arith.constant 16 : i32
      %parallel_loop3A_128 = arith.muli %parallel_loop3A_126, %parallel_loop3A_127 : i32
      %parallel_loop3A_129 = arith.constant 8192 : i32
      %parallel_loop3A_130 = arith.addi %parallel_loop3A_129, %parallel_loop3A_128 : i32
      %parallel_loop3A_131 = arith.index_cast %parallel_loop3A_130 : i32 to index
      %parallel_loop3A_132 = tpu.vector_load %arg6[%parallel_loop3A_131] {strides = array<i32>} : memref<16384xi32, #tpu.memory_space<vmem>>, vector<16xi32>,
      %parallel_loop3A_133 = tpu.vector_load_idx %arg5[%parallel_loop3A_132] : memref<100000xf32, #tpu.memory_space<vmem>>[vector<16xi32>], vector<16xf32>,
      %parallel_loop3A_134 = arith.constant 0 : i32
      %parallel_loop3A_135 = arith.index_cast %parallel_loop3A_134 : i32 to index
      %parallel_loop3A_136 = arith.index_cast %parallel_loop3A_128 : i32 to index
      %parallel_loop3A_137 = tpu.vector_load %arg7[%parallel_loop3A_135, %parallel_loop3A_136] {strides = array<i32>} : memref<2x4096xf32, #tpu.memory_space<vmem>>, vector<16xf32>,
      tpu.vector_store %arg7[%parallel_loop3A_135, %parallel_loop3A_136], %parallel_loop3A_133 {strides = array<i32>} : memref<2x4096xf32, #tpu.memory_space<vmem>>, vector<16xf32>,
    } {sc.loop_unroll_factor = 8 : i64, sc.parallel_access}
    %dma_wait3A_58 = arith.constant 1 : i32
    %dma_wait3A_59 = arith.constant 0 : i32
    %dma_wait3A_60 = tpu.memref_slice %arg7[%dma_wait3A_58, %dma_wait3A_59] : memref<2x4096xf32, #tpu.memory_space<vmem>> -> memref<1x4096xf32, #tpu.memory_space<vmem>>
    %dma_wait3A_61 = tpu.memref_squeeze %dma_wait3A_60 : memref<1x4096xf32, #tpu.memory_space<vmem>> -> memref<4096xf32, #tpu.memory_space<vmem>>
    %dma_wait3A_62 = arith.constant 4096 : i32
    %dma_wait3A_63 = tpu.memref_slice %arg4[%add3A, %dma_wait3A_62] : memref<32x16384xf32, #tpu.memory_space<hbm>> -> memref<1x4096xf32, #tpu.memory_space<hbm>>
    %dma_wait3A_64 = tpu.memref_squeeze %dma_wait3A_63 : memref<1x4096xf32, #tpu.memory_space<hbm>> -> memref<4096xf32, #tpu.memory_space<hbm>>
    %dma_wait3A_65 = arith.constant 4096 : i32
    %dma_wait3A_66 = tpu.memref_slice %arg4[%add3A, %dma_wait3A_65] : memref<32x16384xf32, #tpu.memory_space<hbm>> -> memref<1x4096xf32, #tpu.memory_space<hbm>>
    %dma_wait3A_67 = tpu.memref_squeeze %dma_wait3A_66 : memref<1x4096xf32, #tpu.memory_space<hbm>> -> memref<4096xf32, #tpu.memory_space<hbm>>
    %dma_wait3A_68 = arith.constant 0 : i32
    %dma_wait3A_69 = tpu.memref_slice %arg7[%dma_wait3A_58, %dma_wait3A_68] : memref<2x4096xf32, #tpu.memory_space<vmem>> -> memref<1x4096xf32, #tpu.memory_space<vmem>>
    %dma_wait3A_70 = tpu.memref_squeeze %dma_wait3A_69 : memref<1x4096xf32, #tpu.memory_space<vmem>> -> memref<4096xf32, #tpu.memory_space<vmem>>
    tpu.wait_dma2 semaphore(%arg10 : memref<!tpu.dma_semaphore, #tpu.memory_space<semaphore_mem>>) src(%dma_wait3A_70 : memref<4096xf32, #tpu.memory_space<vmem>>) dst(%dma_wait3A_67 : memref<4096xf32, #tpu.memory_space<hbm>>)
    %dma_start3A_71 = arith.constant 0 : i32
    %dma_start3A_72 = arith.constant 0 : i32
    %dma_start3A_73 = tpu.memref_slice %arg7[%dma_start3A_71, %dma_start3A_72] : memref<2x4096xf32, #tpu.memory_space<vmem>> -> memref<1x4096xf32, #tpu.memory_space<vmem>>
    %dma_start3A_74 = tpu.memref_squeeze %dma_start3A_73 : memref<1x4096xf32, #tpu.memory_space<vmem>> -> memref<4096xf32, #tpu.memory_space<vmem>>
    %dma_start3A_75 = arith.constant 8192 : i32
    %dma_start3A_76 = tpu.memref_slice %arg4[%add3A, %dma_start3A_75] : memref<32x16384xf32, #tpu.memory_space<hbm>> -> memref<1x4096xf32, #tpu.memory_space<hbm>>
    %dma_start3A_77 = tpu.memref_squeeze %dma_start3A_76 : memref<1x4096xf32, #tpu.memory_space<hbm>> -> memref<4096xf32, #tpu.memory_space<hbm>>
    %dma_start3A_78 = arith.constant 8192 : i32
    %dma_start3A_79 = tpu.memref_slice %arg4[%add3A, %dma_start3A_78] : memref<32x16384xf32, #tpu.memory_space<hbm>> -> memref<1x4096xf32, #tpu.memory_space<hbm>>
    %dma_start3A_80 = tpu.memref_squeeze %dma_start3A_79 : memref<1x4096xf32, #tpu.memory_space<hbm>> -> memref<4096xf32, #tpu.memory_space<hbm>>
    %dma_start3A_81 = arith.constant 0 : i32
    %dma_start3A_82 = tpu.memref_slice %arg7[%dma_start3A_71, %dma_start3A_81] : memref<2x4096xf32, #tpu.memory_space<vmem>> -> memref<1x4096xf32, #tpu.memory_space<vmem>>
    %dma_start3A_83 = tpu.memref_squeeze %dma_start3A_82 : memref<1x4096xf32, #tpu.memory_space<vmem>> -> memref<4096xf32, #tpu.memory_space<vmem>>
    tpu.enqueue_dma source(%dma_start3A_83 : memref<4096xf32, #tpu.memory_space<vmem>>) target(%dma_start3A_80 : memref<4096xf32, #tpu.memory_space<hbm>>) target_semaphore(%arg9 : memref<!tpu.dma_semaphore, #tpu.memory_space<semaphore_mem>>)
    %parallel_loop3A_84 = arith.constant 0 : i32
    %parallel_loop3A_85 = arith.constant 256 : i32
    %parallel_loop3A_86 = arith.constant 1 : i32
    scf.for %parallel_loop3A_126 = %parallel_loop3A_84 to %parallel_loop3A_85 step %parallel_loop3A_86  : i32 {
      %parallel_loop3A_127 = arith.constant 16 : i32
      %parallel_loop3A_128 = arith.muli %parallel_loop3A_126, %parallel_loop3A_127 : i32
      %parallel_loop3A_129 = arith.constant 12288 : i32
      %parallel_loop3A_130 = arith.addi %parallel_loop3A_129, %parallel_loop3A_128 : i32
      %parallel_loop3A_131 = arith.index_cast %parallel_loop3A_130 : i32 to index
      %parallel_loop3A_132 = tpu.vector_load %arg6[%parallel_loop3A_131] {strides = array<i32>} : memref<16384xi32, #tpu.memory_space<vmem>>, vector<16xi32>,
      %parallel_loop3A_133 = tpu.vector_load_idx %arg5[%parallel_loop3A_132] : memref<100000xf32, #tpu.memory_space<vmem>>[vector<16xi32>], vector<16xf32>,
      %parallel_loop3A_134 = arith.constant 1 : i32
      %parallel_loop3A_135 = arith.index_cast %parallel_loop3A_134 : i32 to index
      %parallel_loop3A_136 = arith.index_cast %parallel_loop3A_128 : i32 to index
      %parallel_loop3A_137 = tpu.vector_load %arg7[%parallel_loop3A_135, %parallel_loop3A_136] {strides = array<i32>} : memref<2x4096xf32, #tpu.memory_space<vmem>>, vector<16xf32>,
      tpu.vector_store %arg7[%parallel_loop3A_135, %parallel_loop3A_136], %parallel_loop3A_133 {strides = array<i32>} : memref<2x4096xf32, #tpu.memory_space<vmem>>, vector<16xf32>,
    } {sc.loop_unroll_factor = 8 : i64, sc.parallel_access}
    %dma_wait3A_87 = arith.constant 0 : i32
    %dma_wait3A_88 = arith.constant 0 : i32
    %dma_wait3A_89 = tpu.memref_slice %arg7[%dma_wait3A_87, %dma_wait3A_88] : memref<2x4096xf32, #tpu.memory_space<vmem>> -> memref<1x4096xf32, #tpu.memory_space<vmem>>
    %dma_wait3A_90 = tpu.memref_squeeze %dma_wait3A_89 : memref<1x4096xf32, #tpu.memory_space<vmem>> -> memref<4096xf32, #tpu.memory_space<vmem>>
    %dma_wait3A_91 = arith.constant 8192 : i32
    %dma_wait3A_92 = tpu.memref_slice %arg4[%add3A, %dma_wait3A_91] : memref<32x16384xf32, #tpu.memory_space<hbm>> -> memref<1x4096xf32, #tpu.memory_space<hbm>>
    %dma_wait3A_93 = tpu.memref_squeeze %dma_wait3A_92 : memref<1x4096xf32, #tpu.memory_space<hbm>> -> memref<4096xf32, #tpu.memory_space<hbm>>
    %dma_wait3A_94 = arith.constant 8192 : i32
    %dma_wait3A_95 = tpu.memref_slice %arg4[%add3A, %dma_wait3A_94] : memref<32x16384xf32, #tpu.memory_space<hbm>> -> memref<1x4096xf32, #tpu.memory_space<hbm>>
    %dma_wait3A_96 = tpu.memref_squeeze %dma_wait3A_95 : memref<1x4096xf32, #tpu.memory_space<hbm>> -> memref<4096xf32, #tpu.memory_space<hbm>>
    %dma_wait3A_97 = arith.constant 0 : i32
    %dma_wait3A_98 = tpu.memref_slice %arg7[%dma_wait3A_87, %dma_wait3A_97] : memref<2x4096xf32, #tpu.memory_space<vmem>> -> memref<1x4096xf32, #tpu.memory_space<vmem>>
    %dma_wait3A_99 = tpu.memref_squeeze %dma_wait3A_98 : memref<1x4096xf32, #tpu.memory_space<vmem>> -> memref<4096xf32, #tpu.memory_space<vmem>>
    tpu.wait_dma2 semaphore(%arg9 : memref<!tpu.dma_semaphore, #tpu.memory_space<semaphore_mem>>) src(%dma_wait3A_99 : memref<4096xf32, #tpu.memory_space<vmem>>) dst(%dma_wait3A_96 : memref<4096xf32, #tpu.memory_space<hbm>>)
    %dma_start3A_100 = arith.constant 1 : i32
    %dma_start3A_101 = arith.constant 0 : i32
    %dma_start3A_102 = tpu.memref_slice %arg7[%dma_start3A_100, %dma_start3A_101] : memref<2x4096xf32, #tpu.memory_space<vmem>> -> memref<1x4096xf32, #tpu.memory_space<vmem>>
    %dma_start3A_103 = tpu.memref_squeeze %dma_start3A_102 : memref<1x4096xf32, #tpu.memory_space<vmem>> -> memref<4096xf32, #tpu.memory_space<vmem>>
    %dma_start3A_104 = arith.constant 12288 : i32
    %dma_start3A_105 = tpu.memref_slice %arg4[%add3A, %dma_start3A_104] : memref<32x16384xf32, #tpu.memory_space<hbm>> -> memref<1x4096xf32, #tpu.memory_space<hbm>>
    %dma_start3A_106 = tpu.memref_squeeze %dma_start3A_105 : memref<1x4096xf32, #tpu.memory_space<hbm>> -> memref<4096xf32, #tpu.memory_space<hbm>>
    %dma_start3A_107 = arith.constant 12288 : i32
    %dma_start3A_108 = tpu.memref_slice %arg4[%add3A, %dma_start3A_107] : memref<32x16384xf32, #tpu.memory_space<hbm>> -> memref<1x4096xf32, #tpu.memory_space<hbm>>
    %dma_start3A_109 = tpu.memref_squeeze %dma_start3A_108 : memref<1x4096xf32, #tpu.memory_space<hbm>> -> memref<4096xf32, #tpu.memory_space<hbm>>
    %dma_start3A_110 = arith.constant 0 : i32
    %dma_start3A_111 = tpu.memref_slice %arg7[%dma_start3A_100, %dma_start3A_110] : memref<2x4096xf32, #tpu.memory_space<vmem>> -> memref<1x4096xf32, #tpu.memory_space<vmem>>
    %dma_start3A_112 = tpu.memref_squeeze %dma_start3A_111 : memref<1x4096xf32, #tpu.memory_space<vmem>> -> memref<4096xf32, #tpu.memory_space<vmem>>
    tpu.enqueue_dma source(%dma_start3A_112 : memref<4096xf32, #tpu.memory_space<vmem>>) target(%dma_start3A_109 : memref<4096xf32, #tpu.memory_space<hbm>>) target_semaphore(%arg10 : memref<!tpu.dma_semaphore, #tpu.memory_space<semaphore_mem>>)
    %dma_wait3A_113 = arith.constant 1 : i32
    %dma_wait3A_114 = arith.constant 0 : i32
    %dma_wait3A_115 = tpu.memref_slice %arg7[%dma_wait3A_113, %dma_wait3A_114] : memref<2x4096xf32, #tpu.memory_space<vmem>> -> memref<1x4096xf32, #tpu.memory_space<vmem>>
    %dma_wait3A_116 = tpu.memref_squeeze %dma_wait3A_115 : memref<1x4096xf32, #tpu.memory_space<vmem>> -> memref<4096xf32, #tpu.memory_space<vmem>>
    %dma_wait3A_117 = arith.constant 12288 : i32
    %dma_wait3A_118 = tpu.memref_slice %arg4[%add3A, %dma_wait3A_117] : memref<32x16384xf32, #tpu.memory_space<hbm>> -> memref<1x4096xf32, #tpu.memory_space<hbm>>
    %dma_wait3A_119 = tpu.memref_squeeze %dma_wait3A_118 : memref<1x4096xf32, #tpu.memory_space<hbm>> -> memref<4096xf32, #tpu.memory_space<hbm>>
    %dma_wait3A_120 = arith.constant 12288 : i32
    %dma_wait3A_121 = tpu.memref_slice %arg4[%add3A, %dma_wait3A_120] : memref<32x16384xf32, #tpu.memory_space<hbm>> -> memref<1x4096xf32, #tpu.memory_space<hbm>>
    %dma_wait3A_122 = tpu.memref_squeeze %dma_wait3A_121 : memref<1x4096xf32, #tpu.memory_space<hbm>> -> memref<4096xf32, #tpu.memory_space<hbm>>
    %dma_wait3A_123 = arith.constant 0 : i32
    %dma_wait3A_124 = tpu.memref_slice %arg7[%dma_wait3A_113, %dma_wait3A_123] : memref<2x4096xf32, #tpu.memory_space<vmem>> -> memref<1x4096xf32, #tpu.memory_space<vmem>>
    %dma_wait3A_125 = tpu.memref_squeeze %dma_wait3A_124 : memref<1x4096xf32, #tpu.memory_space<vmem>> -> memref<4096xf32, #tpu.memory_space<vmem>>
    tpu.wait_dma2 semaphore(%arg10 : memref<!tpu.dma_semaphore, #tpu.memory_space<semaphore_mem>>) src(%dma_wait3A_125 : memref<4096xf32, #tpu.memory_space<vmem>>) dst(%dma_wait3A_122 : memref<4096xf32, #tpu.memory_space<hbm>>)
    return
  }
}

</mosaic_0001>

<sc_bundles>
// kernel: kernel.3.cloned.1.call-start
scs
__scs_entry_jumppad:
0x0: {  	(pc) =	sbr.rel $0x88, $3  }
0x1: {  	(tag) =	ssettag $0x0;
	lr =	simm.s32 $0x1  }
0x2: {  	[smem:$0x3F9F] =	sst lr;
	_ =	strace $0xD0000000  }
0x3: {  	_ = 	snop  }
0x4: {  	_ = 	snop  }
0x5: {  	_ = 	snop  }
0x6: {  	_ = 	snop  }
0x7: {  	_ = 	snop  }
__scs_overlays_trampoline_lowered:
0x8: {  	[smem:$0x3FAE] =	sst s0  }
0x9: {  	[smem:$0x3FAF] =	sst s1  }
0xa: {  	[smem:$0x3FB0] =	sst s2  }
0xb: {  	[smem:$0x3FB1] =	sst s3  }
0xc: {  	[smem:$0x3FB2] =	sst s4  }
0xd: {  	[smem:$0x3FB3] =	sst s5  }
0xe: {  	[smem:$0x3FB4] =	sst s6  }
0xf: {  	[smem:$0x3FB5] =	sst s7  }
0x10: {  	[smem:$0x3FB6] =	sst s8  }
0x11: {  	[smem:$0x3FB7] =	sst s9;
	s0 =	simm.s32 @!p0 $0x0  }
0x12: {  	s1 =	sld [smem:$0x3F9D];
	s0 =	simm.s32 @p0 $0x1  }
0x13: {  	[smem:$0x3FB8] =	sst s0;
	s0 =	simm.s32 @!p1 $0x0  }
0x14: {  	s2 =	sld [smem:$0x3F9C];
	s0 =	simm.s32 @p1 $0x1  }
0x15: {  	[smem:$0x3FB9] =	sst s0;
	s0 =	simm.s32 @!p2 $0x0  }
0x16: {  	s3 =	sld [smem:$0x3FDB];
	s0 =	simm.s32 @p2 $0x1  }
0x17: {  	s4 =	simm.s32 $0x1BF5;
	[smem:$0x3FBB] =	sst s0  }
0x18: {  	s0 =	sld [smem:$0x3F9E];
	_ =	swait.ge [sflag:s4], $0x0  }
0x19: {  	s7 =	sld [smem:$0x3F9F]  }
0x1a: {  	s8 =	sadd.s32 $0xFFFFE003, lr  }
0x1b: {  	s9 =	sadd.s32 $0xFFFFFEF7, lr;
	s5 =	simm.s32 $0xFFFFFFFF;
	p2 =	slt.u32 s8, $0xFFFFF086  }
0x1c: {  	p1 =	slt.u32 s9, $0xF7A;
	s5 =	simm.s32 @!p2 $0x0  }
0x1d: {  	s5 =	simm.s32 @p1 $0x1;
	p0 =	seq.s32 s7, s2  }
0x1e: {  	s7 =	smul.u32 @!p0 $0xF7A, s2;
	p2 =	seq.s32 @!p0 s5, $0x0  }
0x1f: {  	s9 =	smul.u32 $0xF7A, s1;
	s8 =	simm.s32 @!p0 $0x1BF5;
	p2 =	por !p2, p0  }
0x20: {  	[sflag:s8] =	ssyncset.s32 @!p0 $0xFFFFF086;
	s6 =	sadd.s32 @!p0 s3, s7;
	s7 =	simm.s32 @!p0 $0x108  }
0x21: {  	s3 =	sadd.s32 s3, s9;
	s6 =	sadd.s32 @!p0 $0x88, s6;
	s7 =	simm.s32 @p2 $0x1082  }
0x22: {  	[simem:s7], [sflag:s8] =	dma.local @!p0 [hbm:s6], $0xF7A  }
0x23: {  	s9 =	sor.u32 $0xD0000000, s2;
	s6 =	simm.s32 $0x108;
	_ =	swait.ge @!p0 [sflag:s8], $0x0  }
0x24: {  	s3 =	sadd.s32 $0x88, s3;
	s6 =	simm.s32 @!p1 $0x1082;
	[sflag:s4] =	ssyncset.s32 $0xFFFFF086  }
0x25: {  	[simem:s6], [sflag:s4] =	dma.local [hbm:s3], $0xF7A  }
0x26: {  	[smem:$0x3F9F] =	sst s1;
	(tag) =	ssettag s2;
	_ =	strace s9  }
0x27: {  	s1 =	sld [smem:$0x3FAF]  }
0x28: {  	s2 =	sld [smem:$0x3FB0]  }
0x29: {  	s4 =	sld [smem:$0x3FB2]  }
0x2a: {  	p0 =	seq.s32 s5, $0x0;
	s5 =	sld [smem:$0x3FB3]  }
0x2b: {  	s6 =	sld [smem:$0x3FB4]  }
0x2c: {  	s7 =	sld [smem:$0x3FB5]  }
0x2d: {  	s3 =	simm.s32 $0x108;
	s8 =	sld [smem:$0x3FB6]  }
0x2e: {  	s3 =	simm.s32 @!p0 $0x1082;
	s9 =	sld [smem:$0x3FB7]  }
0x2f: {  	lr =	sadd.s32 s0, s3;
	s0 =	sld [smem:$0x3FAE]  }
0x30: {  	s3 =	sld [smem:$0x3FB1]  }
0x31: {  	[smem:$0x3FBA] =	sst s10  }
0x32: {  	s10 =	sld [smem:$0x3FB8];
	_ =	sdelay $0x3  }
0x33: {  	p0 =	seq.s32 s10, $0x1;
	s10 =	sld [smem:$0x3FBA];
	_ =	sdelay $0x3  }
0x34: {  	[smem:$0x3FBA] =	sst s10  }
0x35: {  	s10 =	sld [smem:$0x3FB9];
	_ =	sdelay $0x3  }
0x36: {  	p1 =	seq.s32 s10, $0x1;
	s10 =	sld [smem:$0x3FBA];
	_ =	sdelay $0x3  }
0x37: {  	[smem:$0x3FBA] =	sst s10  }
0x38: {  	s10 =	sld [smem:$0x3FBB]  }
0x39: {  	_ = 	snop;
	(pc) =	sbr.ind lr, $3  }
0x3a: {  	_ = 	snop  }
0x3b: {  	_ = 	snop  }
0x3c: {  	p2 =	seq.s32 s10, $0x1;
	s10 =	sld [smem:$0x3FBA]  }
0x3d: {  	_ =	shalt  }
0x3e: {  	_ =	shalt  }
0x3f: {  	_ =	shalt  }
0x40: {  	_ =	shalt  }
0x41: {  	_ =	shalt  }
0x42: {  	_ =	shalt  }
0x43: {  	_ =	shalt  }
0x44: {  	_ =	shalt  }
0x45: {  	_ =	shalt  }
0x46: {  	_ =	shalt  }
0x47: {  	_ =	shalt  }
0x48: {  	_ =	shalt  }
0x49: {  	_ =	shalt  }
0x4a: {  	_ =	shalt  }
0x4b: {  	_ =	shalt  }
0x4c: {  	_ =	shalt  }
0x4d: {  	_ =	shalt  }
0x4e: {  	_ =	shalt  }
0x4f: {  	_ =	shalt  }
0x50: {  	_ =	shalt  }
0x51: {  	_ =	shalt  }
0x52: {  	_ =	shalt  }
0x53: {  	_ =	shalt  }
0x54: {  	_ =	shalt  }
0x55: {  	_ =	shalt  }
0x56: {  	_ =	shalt  }
0x57: {  	_ =	shalt  }
0x58: {  	_ =	shalt  }
0x59: {  	_ =	shalt  }
0x5a: {  	_ =	shalt  }
0x5b: {  	_ =	shalt  }
0x5c: {  	_ =	shalt  }
0x5d: {  	_ =	shalt  }
0x5e: {  	_ =	shalt  }
0x5f: {  	_ =	shalt  }
0x60: {  	_ =	shalt  }
0x61: {  	_ =	shalt  }
0x62: {  	_ =	shalt  }
0x63: {  	_ =	shalt  }
0x64: {  	_ =	shalt  }
0x65: {  	_ =	shalt  }
0x66: {  	_ =	shalt  }
0x67: {  	_ =	shalt  }
0x68: {  	_ =	shalt  }
0x69: {  	_ =	shalt  }
0x6a: {  	_ =	shalt  }
0x6b: {  	_ =	shalt  }
0x6c: {  	_ =	shalt  }
0x6d: {  	_ =	shalt  }
0x6e: {  	_ =	shalt  }
0x6f: {  	_ =	shalt  }
0x70: {  	_ =	shalt  }
0x71: {  	_ =	shalt  }
0x72: {  	_ =	shalt  }
0x73: {  	_ =	shalt  }
0x74: {  	_ =	shalt  }
0x75: {  	_ =	shalt  }
0x76: {  	_ =	shalt  }
0x77: {  	_ =	shalt  }
0x78: {  	_ =	shalt  }
0x79: {  	_ =	shalt  }
0x7a: {  	_ =	shalt  }
0x7b: {  	_ =	shalt  }
0x7c: {  	_ =	shalt  }
0x7d: {  	_ =	shalt  }
0x7e: {  	_ =	shalt  }
0x7f: {  	_ =	shalt  }
0x80: {  	_ =	shalt  }
0x81: {  	_ =	shalt  }
0x82: {  	_ =	shalt  }
0x83: {  	_ =	shalt  }
0x84: {  	_ =	shalt  }
0x85: {  	_ =	shalt  }
0x86: {  	_ =	shalt  }
0x87: {  	_ =	shalt  }
.Lfunc_end0:
.L_simem_size_0:
called_computation_lowered:
.L_overlay_start_0:
0x88: {  	s2 =	sld [smem:$0x3FD9]  }
0x89: {  	s3 =	sld [smem:$0x3FFE];
	_ =	sdelay $0x1  }
0x8a: {  	s1 =	srdreg.scid  }
0x8b: {  	s0 =	sand.u32 $0x1, s1  }
0x8c: {  	s18 =	sshll.u32 s0, $0xA;
	s2 =	sadd.s32 s3, s2  }
0x8d: {  	s2 =	sadd.s32 s2, s18  }
0x8e: {  	[smem:$0x3FC6] =	sst s2  }
0x8f: {  	_ = 	snop  }
0x90: {  	s2 =	sld [smem:$0x3FC9]  }
0x91: {  	s19 =	sld [smem:$0x3FC8]  }
0x92: {  	s4 =	sld [smem:$0x3FD0];
	(tm) =	ssettm $0x1  }
0x93: {  	s5 =	sld [smem:$0x3FFB];
	_ =	sdelay $0x3  }
0x94: {  	_ =	strace s5  }
0x95: {  	s5 =	sld [smem:$0x3FFC];
	_ =	sdelay $0x3  }
0x96: {  	_ =	strace s5  }
0x97: {  	s5 =	sld [smem:$0x3FFD];
	_ =	sdelay $0x3  }
0x98: {  	_ =	strace s5  }
0x99: {  	_ =	strace $0x8FFFFFFF  }
0x9a: {  	s20 =	sld [smem:$0x3FDB];
	_ =	sdelay $0x1  }
0x9b: {  	s6 =	simm.s32 $_scs_section_size  }
0x9c: {  	s7 =	simm.s32 $_size__tile_overlayer_lowered;
	s8 =	simm.s32 $_tile_overlayer_lowered  }
0x9d: {  	s23 =	simm.s32 $0x1BFF;
	s22 =	sshll.u32 s8, $0x1;
	s5 =	sadd.s32 s6, s20  }
0x9e: {  	s9 =	simm.s32 $0x0;
	s21 =	sshll.u32 s7, $0x1;
	s7 =	sadd.s32 s22, s5  }
0x9f: {  	[timem:s9], [sflag:s23] =	dma.local [hbm:s7], s21  }
0xa0: {  	_ =	swait.ge [sflag:s23], s21  }
0xa1: {  	s6 =	ssub.s32 $0x0, s21;
	[sflag:s23] =	ssyncset.done $0x0  }
0xa2: {  	[sflag:s23] =	ssyncadd.s32 s6;
	_ =	sdelay $0x1  }
0xa3: {  	s24 =	simm.s32 $0x1B8B  }
0xa4: {  	_ =	swait.ge [sflag:s24], $0x1  }
0xa5: {  	[sflag:s24] =	ssyncset.done $0x0  }
0xa6: {  	s25 =	simm.s32 $0x1B8E;
	[sflag:s24] =	ssyncadd.s32 $0xFFFFFFFF  }
0xa7: {  	s26 =	simm.s32 $execute0_lowered;
	[smem:$0x3FD2] =	sst s25  }
0xa8: {  	s6 =	sshll.u32 s26, $0x1;
	_ =	strace $0x80000046;
	[dreg:$0x1] =	wrdreg $0xFFFFFFFF  }
0xa9: {  	s28 =	simm.s32 $_size_execute0_lowered;
	s5 =	sadd.s32 s5, s6;
	[dreg:$0x0] =	wrdreg $0x0  }
0xaa: {  	s6 =	sshll.u32 s28, $0x1;
	[dreg:$0x2] =	wrdreg s5  }
0xab: {  	[dreg:$0x3] =	wrdreg s6  }
0xac: {  	[dreg:$0x4] =	wrdreg $0xC0  }
0xad: {  	_ =	task [dreg:s9], $0x5FFFF  }
0xae: {  	[dreg:$0x1] =	wrdreg $0xFFFFFFFF  }
0xaf: {  	[dreg:$0x0] =	wrdreg $0x60  }
0xb0: {  	[dreg:$0x2] =	wrdreg s2  }
0xb1: {  	[dreg:$0x3] =	wrdreg s19  }
0xb2: {  	[dreg:$0x4] =	wrdreg s4  }
0xb3: {  	[dreg:$0x5] =	wrdreg $0x9  }
0xb4: {  	_ =	task.clear_ibuf [dreg:s9], $0x6FFFF;
	_ =	strace $0x90000046  }
0xb5: {  	s29 =	simm.s32 $0x9;
	_ =	strace $0x80000048  }
0xb6: {  	_ =	swait.ge [sflag:s29], $0x1  }
0xb7: {  	[sflag:s29] =	ssyncadd.s32 $0xFFFFFFFF  }
0xb8: {  	_ =	strace $0x90000048  }
0xb9: {  	_ =	sfence  }
0xba: {  	s30 =	sld [smem:$0x0];
	_ =	sdelay $0x2  }
0xbb: {  	s31 =	sshll.u32 s1, $0xD;
	s1 =	sshrl.u32 s1, $0x2  }
0xbc: {  	s3 =	sand.u32 $0x4000, s31;
	s1 =	sadd.s32 s1, s30  }
0xbd: {  	s0 =	sor.u32 s3, s0;
	s1 =	sshll.u32 s1, $0x11  }
0xbe: {  	s0 =	sor.u32 s1, s0  }
0xbf: {  	s0 =	sadd.s32 $0x8F2B, s0  }
0xc0: {  	[sflag:s0] =	ssyncadd.remote.s32 $0x1  }
0xc1: {  	_ =	sfence.sel $0xFFFF  }
0xc2: {  	[dreg:$0x0] =	wrdreg $0xFFFFFFFF;
	(pc) =	sbr.abs _section_cstart, $3  }
0xc3: {  	[dreg:$0x1] =	wrdreg $0xFFFFFFFF  }
0xc4: {  	_ =	task.clear_ibuf [dreg:s9], $0x2FFFF;
	_ =	strace $0x9FFFFFFF  }
0xc5: {  	(tm) =	ssettm $0x7FFFFFFF  }
tec
execute0_lowered:
.L_overlay_start_1:
0x0: {  	(tag) =	ssettag $0x1  }
0x1: {  	s1 =	rddreg [dreg:$0x0]  }
0x2: {  	s4 =	rddreg [dreg:$0x1]  }
0x3: {  	s5 =	rddreg [dreg:$0x2]  }
0x4: {  	s0 =	rddreg [dreg:$0x3];
	s3 =	simm.s32 $0x0  }
0x5: {  	s6 =	srdreg.scid;
	s2 =	stileid.u32;
	s11 =	simm.s32 $0x400  }
0x6: {  	s12 =	simm.s32 $0x18700;
	s13 =	simm.s32 $0x4;
	s14 =	simm.s32 $0x1  }
0x7: {  	s15 =	simm.s32 $0x2;
	s16 =	simm.s32 $0x3;
	s17 =	simm.s32 $0x0  }
0x8: {  	[smem:$0x7FF] =	sst s3;
	s6 =	sand.u32 $0x1, s6;
	s8 =	sshll.u32 s2, $0x8  }
0x9: {  	s7 =	sshrl.u32 s2, $0x2;
	s9 =	sshll.u32 s6, $0x7;
	s8 =	sand.u32 $0x300, s8  }
0xa: {  	s10 =	smul.u32 $0xC3800, s7;
	_ =	strace $0x80000047;
	s6 =	ssub.s32 $0x2, s6  }
0xb: {  	s7 =	sshll.u32 s7, $0x11;
	s8 =	sor.u32 s9, s8;
	s30 =	sshrl.u32 s6, $0x1  }
0xc: {  	s9 =	sor.u32 s10, s8;
	s7 =	sor.u32 s7, s8;
	s31 =	ssub.s32 s6, s30  }
0xd: {  	s10 =	simm.s32 $0x80;
	s9 =	sshrl.u32 s9, $0x3;
	s7 =	sshrl.u32 s7, $0x3  }
0xe: {  	s4 =	sadd.s32 s4, s9;
	s5 =	sadd.s32 s5, s7;
	s9 =	smax.u32 s31, $0x1  }
0xf: {  	s6 =	sadd.s32 $0x1000, s5;
	s7 =	sadd.s32 $0x2000, s5;
	s8 =	sadd.s32 $0x3000, s5  }
.LBB2_1:
0x10: {  	[tilespmem:s3], [sflag:$0x1] =	stream.strided.gather [hbm4b:s4+s10], $0x18700, s11, s10, $0x38;
	[tilespmem:$0x1E700] =	vst v63  }
0x11: {  	_ = 	snop  }
0x12: {  	[tilespmem:s12], [sflag:$0x4] =	stream.linear.gather [hbm4b:s1+s3], $0x4000, $0x38;
	[tilespmem:$0x1E700] =	vst v63  }
0x13: {  	_ =	swait.ge [sflag:s13], $0x4000  }
0x14: {  	[sflag:s13] =	ssyncset.done $0x0  }
0x15: {  	[sflag:s13] =	ssyncadd.s32 $0xFFFFC000  }
0x16: {  	_ =	swait.ge [sflag:s14], $0x18700  }
0x17: {  	[sflag:s14] =	ssyncset.done $0x0  }
0x18: {  	s18 =	simm.s32 $0x18740;
	[sflag:s14] =	ssyncadd.s32 $0xFFFE7900  }
0x19: {  	v0 =	vld [tilespmem:s18+$0x30]  }
0x1a: {  	v1 =	vld [tilespmem:s18+$0xFFFFFFD0]  }
0x1b: {  	v2 =	vld [tilespmem:s18+$0xFFFFFFE0]  }
0x1c: {  	v3 =	vld [tilespmem:s18+$0xFFFFFFF0]  }
0x1d: {  	v4 =	vld [tilespmem:s18+$0x0]  }
0x1e: {  	v6 =	vld [tilespmem:s18+$0x10]  }
0x1f: {  	v7 =	vld [tilespmem:s18+$0x20]  }
0x20: {  	v8 =	vld [tilespmem:s18+$0xFFFFFFC0]  }
0x21: {  	v9 =	vld.idx.msk [tilespmem:v0+s3+$0x0], $0xffff  }
0x22: {  	v10 =	vld.idx.msk [tilespmem:v1+s3+$0x0], $0xffff  }
0x23: {  	v5 =	vld.idx.msk [tilespmem:v2+s3+$0x0], $0xffff  }
0x24: {  	v3 =	vld.idx.msk [tilespmem:v3+s3+$0x0], $0xffff  }
0x25: {  	v0 =	vld.idx.msk [tilespmem:v4+s3+$0x0], $0xffff  }
0x26: {  	s18 =	simm.s32 $0x1C740;
	v1 =	vld.idx.msk [tilespmem:v6+s3+$0x0], $0xffff  }
0x27: {  	v2 =	vld.idx.msk [tilespmem:v7+s3+$0x0], $0xffff;
	[tilespmem:s18+$0x30] =	vst v9  }
0x28: {  	s19 =	simm.s32 $0x0;
	s20 =	simm.s32 $0x187C0;
	v4 =	vld.idx.msk [tilespmem:v8+s3+$0x0], $0xffff;
	[tilespmem:s18+$0xFFFFFFD0] =	vst v10  }
.LBB2_2:
0x29: {  	v6 =	vld [tilespmem:s20+$0x30];
	s19 =	sadd.s32 $0x8, s19;
	[tilespmem:s18+$0xFFFFFFE0] =	vst v5  }
0x2a: {  	v5 =	vld [tilespmem:s20+$0xFFFFFFD0];
	p0 =	slt.u32 s19, $0xF8;
	[tilespmem:s18+$0xFFFFFFF0] =	vst v3  }
0x2b: {  	v3 =	vld [tilespmem:s20+$0xFFFFFFE0];
	[tilespmem:s18+$0x0] =	vst v0  }
0x2c: {  	v0 =	vld [tilespmem:s20+$0xFFFFFFF0];
	[tilespmem:s18+$0x10] =	vst v1  }
0x2d: {  	v1 =	vld [tilespmem:s20+$0x0];
	[tilespmem:s18+$0x20] =	vst v2  }
0x2e: {  	v2 =	vld [tilespmem:s20+$0x10];
	[tilespmem:s18+$0xFFFFFFC0] =	vst v4  }
0x2f: {  	v4 =	vld [tilespmem:s20+$0x20]  }
0x30: {  	v7 =	vld [tilespmem:s20+$0xFFFFFFC0]  }
0x31: {  	v6 =	vld.idx.msk [tilespmem:v6+s3+$0x0], $0xffff  }
0x32: {  	v8 =	vld.idx.msk [tilespmem:v5+s3+$0x0], $0xffff  }
0x33: {  	v5 =	vld.idx.msk [tilespmem:v3+s3+$0x0], $0xffff  }
.Ltmp0:
0x34: {  	v3 =	vld.idx.msk [tilespmem:v0+s3+$0x0], $0xffff;
	(pc) =	sbr.rel @p0 .LBB2_2-.Ltmp0, $4  }
0x35: {  	v0 =	vld.idx.msk [tilespmem:v1+s3+$0x0], $0xffff  }
0x36: {  	s18 =	sadd.s32 $0x100, s18;
	v1 =	vld.idx.msk [tilespmem:v2+s3+$0x0], $0xffff  }
0x37: {  	v2 =	vld.idx.msk [tilespmem:v4+s3+$0x0], $0xffff;
	[tilespmem:s18+$0x30] =	vst v6  }
0x38: {  	s20 =	sadd.s32 $0x80, s20;
	v4 =	vld.idx.msk [tilespmem:v7+s3+$0x0], $0xffff;
	[tilespmem:s18+$0xFFFFFFD0] =	vst v8  }
0x39: {  	[tilespmem:s18+$0xFFFFFFE0] =	vst v5  }
0x3a: {  	[tilespmem:s18+$0xFFFFFFF0] =	vst v3  }
0x3b: {  	[tilespmem:s18+$0x0] =	vst v0  }
0x3c: {  	[tilespmem:s18+$0x10] =	vst v1  }
0x3d: {  	[tilespmem:s18+$0x20] =	vst v2  }
0x3e: {  	s19 =	simm.s32 $0x1C700;
	[tilespmem:s18+$0xFFFFFFC0] =	vst v4;
	s18 =	simm.s32 $0x0  }
.LBB2_4:
0x3f: {  	p0 =	sne.s32 s18, $0xF80  }
.Ltmp1:
0x40: {  	_ = 	snop;
	(pc) =	sbr.rel @p0 .LBB2_4-.Ltmp1, $4  }
0x41: {  	_ = 	snop  }
0x42: {  	s20 =	sadd.s32 s18, s5  }
0x43: {  	[hbm4b:s20+s3] =	stream.linear.scatter [tilespmem:s19], [sflag:$0x2], $0x80, $0x38;
	[tilespmem:$0x1E700] =	vst v63  }
0x44: {  	s18 =	sadd.s32 $0x80, s18;
	s19 =	sadd.s32 $0x100, s19  }
0x45: {  	s18 =	simm.s32 $0x19770  }
0x46: {  	v0 =	vld [tilespmem:s18+$0x0]  }
0x47: {  	v1 =	vld [tilespmem:s18+$0xFFFFFFA0]  }
0x48: {  	v2 =	vld [tilespmem:s18+$0xFFFFFFB0]  }
0x49: {  	v3 =	vld [tilespmem:s18+$0xFFFFFFC0]  }
0x4a: {  	v4 =	vld [tilespmem:s18+$0xFFFFFFD0]  }
0x4b: {  	v6 =	vld [tilespmem:s18+$0xFFFFFFE0]  }
0x4c: {  	v7 =	vld [tilespmem:s18+$0xFFFFFFF0]  }
0x4d: {  	v8 =	vld [tilespmem:s18+$0xFFFFFF90]  }
0x4e: {  	v9 =	vld.idx.msk [tilespmem:v0+s3+$0x0], $0xffff  }
0x4f: {  	v10 =	vld.idx.msk [tilespmem:v1+s3+$0x0], $0xffff  }
0x50: {  	v5 =	vld.idx.msk [tilespmem:v2+s3+$0x0], $0xffff  }
0x51: {  	v3 =	vld.idx.msk [tilespmem:v3+s3+$0x0], $0xffff  }
0x52: {  	v0 =	vld.idx.msk [tilespmem:v4+s3+$0x0], $0xffff  }
0x53: {  	s18 =	simm.s32 $0x1C7F0;
	v1 =	vld.idx.msk [tilespmem:v6+s3+$0x0], $0xffff  }
0x54: {  	v2 =	vld.idx.msk [tilespmem:v7+s3+$0x0], $0xffff;
	[tilespmem:s18+$0x0] =	vst v9  }
0x55: {  	s19 =	simm.s32 $0x0;
	s20 =	simm.s32 $0x197F0;
	v4 =	vld.idx.msk [tilespmem:v8+s3+$0x0], $0xffff;
	[tilespmem:s18+$0xFFFFFFA0] =	vst v10  }
.LBB2_6:
0x56: {  	v6 =	vld [tilespmem:s20+$0x0];
	s19 =	sadd.s32 $0x8, s19;
	[tilespmem:s18+$0xFFFFFFB0] =	vst v5  }
0x57: {  	v5 =	vld [tilespmem:s20+$0xFFFFFFA0];
	p0 =	slt.u32 s19, $0xF8;
	[tilespmem:s18+$0xFFFFFFC0] =	vst v3  }
0x58: {  	v3 =	vld [tilespmem:s20+$0xFFFFFFB0];
	[tilespmem:s18+$0xFFFFFFD0] =	vst v0  }
0x59: {  	v0 =	vld [tilespmem:s20+$0xFFFFFFC0];
	[tilespmem:s18+$0xFFFFFFE0] =	vst v1  }
0x5a: {  	v1 =	vld [tilespmem:s20+$0xFFFFFFD0];
	[tilespmem:s18+$0xFFFFFFF0] =	vst v2  }
0x5b: {  	v2 =	vld [tilespmem:s20+$0xFFFFFFE0];
	[tilespmem:s18+$0xFFFFFF90] =	vst v4  }
0x5c: {  	v4 =	vld [tilespmem:s20+$0xFFFFFFF0]  }
0x5d: {  	v7 =	vld [tilespmem:s20+$0xFFFFFF90]  }
0x5e: {  	v6 =	vld.idx.msk [tilespmem:v6+s3+$0x0], $0xffff  }
0x5f: {  	v8 =	vld.idx.msk [tilespmem:v5+s3+$0x0], $0xffff  }
0x60: {  	v5 =	vld.idx.msk [tilespmem:v3+s3+$0x0], $0xffff  }
.Ltmp2:
0x61: {  	v3 =	vld.idx.msk [tilespmem:v0+s3+$0x0], $0xffff;
	(pc) =	sbr.rel @p0 .LBB2_6-.Ltmp2, $4  }
0x62: {  	v0 =	vld.idx.msk [tilespmem:v1+s3+$0x0], $0xffff  }
0x63: {  	s18 =	sadd.s32 $0x100, s18;
	v1 =	vld.idx.msk [tilespmem:v2+s3+$0x0], $0xffff  }
0x64: {  	v2 =	vld.idx.msk [tilespmem:v4+s3+$0x0], $0xffff;
	[tilespmem:s18+$0x0] =	vst v6  }
0x65: {  	s20 =	sadd.s32 $0x80, s20;
	v4 =	vld.idx.msk [tilespmem:v7+s3+$0x0], $0xffff;
	[tilespmem:s18+$0xFFFFFFA0] =	vst v8  }
0x66: {  	[tilespmem:s18+$0xFFFFFFB0] =	vst v5  }
0x67: {  	[tilespmem:s18+$0xFFFFFFC0] =	vst v3  }
0x68: {  	[tilespmem:s18+$0xFFFFFFD0] =	vst v0  }
0x69: {  	[tilespmem:s18+$0xFFFFFFE0] =	vst v1  }
0x6a: {  	[tilespmem:s18+$0xFFFFFFF0] =	vst v2  }
0x6b: {  	[tilespmem:s18+$0xFFFFFF90] =	vst v4  }
0x6c: {  	_ =	swait.ge [sflag:s15], $0x1000  }
0x6d: {  	[sflag:s15] =	ssyncset.done $0x0  }
0x6e: {  	s19 =	simm.s32 $0x1C780;
	s18 =	simm.s32 $0x0;
	[sflag:s15] =	ssyncadd.s32 $0xFFFFF000  }
.LBB2_8:
0x6f: {  	p0 =	sne.s32 s18, $0xF80  }
.Ltmp3:
0x70: {  	_ = 	snop;
	(pc) =	sbr.rel @p0 .LBB2_8-.Ltmp3, $4  }
0x71: {  	_ = 	snop  }
0x72: {  	s20 =	sadd.s32 s18, s6  }
0x73: {  	[hbm4b:s20+s3] =	stream.linear.scatter [tilespmem:s19], [sflag:$0x3], $0x80, $0x38;
	[tilespmem:$0x1E700] =	vst v63  }
0x74: {  	s18 =	sadd.s32 $0x80, s18;
	s19 =	sadd.s32 $0x100, s19  }
0x75: {  	s18 =	simm.s32 $0x1A770  }
0x76: {  	v0 =	vld [tilespmem:s18+$0x0]  }
0x77: {  	v1 =	vld [tilespmem:s18+$0xFFFFFFA0]  }
0x78: {  	v2 =	vld [tilespmem:s18+$0xFFFFFFB0]  }
0x79: {  	v3 =	vld [tilespmem:s18+$0xFFFFFFC0]  }
0x7a: {  	v4 =	vld [tilespmem:s18+$0xFFFFFFD0]  }
0x7b: {  	v6 =	vld [tilespmem:s18+$0xFFFFFFE0]  }
0x7c: {  	v7 =	vld [tilespmem:s18+$0xFFFFFFF0]  }
0x7d: {  	v8 =	vld [tilespmem:s18+$0xFFFFFF90]  }
0x7e: {  	v9 =	vld.idx.msk [tilespmem:v0+s3+$0x0], $0xffff  }
0x7f: {  	v10 =	vld.idx.msk [tilespmem:v1+s3+$0x0], $0xffff  }
0x80: {  	v5 =	vld.idx.msk [tilespmem:v2+s3+$0x0], $0xffff  }
0x81: {  	v3 =	vld.idx.msk [tilespmem:v3+s3+$0x0], $0xffff  }
0x82: {  	v0 =	vld.idx.msk [tilespmem:v4+s3+$0x0], $0xffff  }
0x83: {  	s18 =	simm.s32 $0x1C740;
	v1 =	vld.idx.msk [tilespmem:v6+s3+$0x0], $0xffff  }
0x84: {  	v2 =	vld.idx.msk [tilespmem:v7+s3+$0x0], $0xffff;
	[tilespmem:s18+$0x30] =	vst v9  }
0x85: {  	s19 =	simm.s32 $0x0;
	s20 =	simm.s32 $0x1A7F0;
	v4 =	vld.idx.msk [tilespmem:v8+s3+$0x0], $0xffff;
	[tilespmem:s18+$0xFFFFFFD0] =	vst v10  }
.LBB2_10:
0x86: {  	v6 =	vld [tilespmem:s20+$0x0];
	s19 =	sadd.s32 $0x8, s19;
	[tilespmem:s18+$0xFFFFFFE0] =	vst v5  }
0x87: {  	v5 =	vld [tilespmem:s20+$0xFFFFFFA0];
	p0 =	slt.u32 s19, $0xF8;
	[tilespmem:s18+$0xFFFFFFF0] =	vst v3  }
0x88: {  	v3 =	vld [tilespmem:s20+$0xFFFFFFB0];
	[tilespmem:s18+$0x0] =	vst v0  }
0x89: {  	v0 =	vld [tilespmem:s20+$0xFFFFFFC0];
	[tilespmem:s18+$0x10] =	vst v1  }
0x8a: {  	v1 =	vld [tilespmem:s20+$0xFFFFFFD0];
	[tilespmem:s18+$0x20] =	vst v2  }
0x8b: {  	v2 =	vld [tilespmem:s20+$0xFFFFFFE0];
	[tilespmem:s18+$0xFFFFFFC0] =	vst v4  }
0x8c: {  	v4 =	vld [tilespmem:s20+$0xFFFFFFF0]  }
0x8d: {  	v7 =	vld [tilespmem:s20+$0xFFFFFF90]  }
0x8e: {  	v6 =	vld.idx.msk [tilespmem:v6+s3+$0x0], $0xffff  }
0x8f: {  	v8 =	vld.idx.msk [tilespmem:v5+s3+$0x0], $0xffff  }
0x90: {  	v5 =	vld.idx.msk [tilespmem:v3+s3+$0x0], $0xffff  }
.Ltmp4:
0x91: {  	v3 =	vld.idx.msk [tilespmem:v0+s3+$0x0], $0xffff;
	(pc) =	sbr.rel @p0 .LBB2_10-.Ltmp4, $4  }
0x92: {  	v0 =	vld.idx.msk [tilespmem:v1+s3+$0x0], $0xffff  }
0x93: {  	s18 =	sadd.s32 $0x100, s18;
	v1 =	vld.idx.msk [tilespmem:v2+s3+$0x0], $0xffff  }
0x94: {  	v2 =	vld.idx.msk [tilespmem:v4+s3+$0x0], $0xffff;
	[tilespmem:s18+$0x30] =	vst v6  }
0x95: {  	s20 =	sadd.s32 $0x80, s20;
	v4 =	vld.idx.msk [tilespmem:v7+s3+$0x0], $0xffff;
	[tilespmem:s18+$0xFFFFFFD0] =	vst v8  }
0x96: {  	[tilespmem:s18+$0xFFFFFFE0] =	vst v5  }
0x97: {  	[tilespmem:s18+$0xFFFFFFF0] =	vst v3  }
0x98: {  	[tilespmem:s18+$0x0] =	vst v0  }
0x99: {  	[tilespmem:s18+$0x10] =	vst v1  }
0x9a: {  	[tilespmem:s18+$0x20] =	vst v2  }
0x9b: {  	[tilespmem:s18+$0xFFFFFFC0] =	vst v4  }
0x9c: {  	_ =	swait.ge [sflag:s16], $0x1000  }
0x9d: {  	[sflag:s16] =	ssyncset.done $0x0  }
0x9e: {  	s19 =	simm.s32 $0x1C700;
	s18 =	simm.s32 $0x0;
	[sflag:s16] =	ssyncadd.s32 $0xFFFFF000  }
.LBB2_12:
0x9f: {  	p0 =	sne.s32 s18, $0xF80  }
.Ltmp5:
0xa0: {  	_ = 	snop;
	(pc) =	sbr.rel @p0 .LBB2_12-.Ltmp5, $4  }
0xa1: {  	_ = 	snop  }
0xa2: {  	s20 =	sadd.s32 s18, s7  }
0xa3: {  	[hbm4b:s20+s3] =	stream.linear.scatter [tilespmem:s19], [sflag:$0x2], $0x80, $0x38;
	[tilespmem:$0x1E700] =	vst v63  }
0xa4: {  	s18 =	sadd.s32 $0x80, s18;
	s19 =	sadd.s32 $0x100, s19  }
0xa5: {  	s18 =	simm.s32 $0x1B770  }
0xa6: {  	v0 =	vld [tilespmem:s18+$0x0]  }
0xa7: {  	v1 =	vld [tilespmem:s18+$0xFFFFFFA0]  }
0xa8: {  	v2 =	vld [tilespmem:s18+$0xFFFFFFB0]  }
0xa9: {  	v3 =	vld [tilespmem:s18+$0xFFFFFFC0]  }
0xaa: {  	v4 =	vld [tilespmem:s18+$0xFFFFFFD0]  }
0xab: {  	v6 =	vld [tilespmem:s18+$0xFFFFFFE0]  }
0xac: {  	v7 =	vld [tilespmem:s18+$0xFFFFFFF0]  }
0xad: {  	v8 =	vld [tilespmem:s18+$0xFFFFFF90]  }
0xae: {  	v9 =	vld.idx.msk [tilespmem:v0+s3+$0x0], $0xffff  }
0xaf: {  	v10 =	vld.idx.msk [tilespmem:v1+s3+$0x0], $0xffff  }
0xb0: {  	v5 =	vld.idx.msk [tilespmem:v2+s3+$0x0], $0xffff  }
0xb1: {  	v3 =	vld.idx.msk [tilespmem:v3+s3+$0x0], $0xffff  }
0xb2: {  	v0 =	vld.idx.msk [tilespmem:v4+s3+$0x0], $0xffff  }
0xb3: {  	s18 =	simm.s32 $0x1C7F0;
	v1 =	vld.idx.msk [tilespmem:v6+s3+$0x0], $0xffff  }
0xb4: {  	v2 =	vld.idx.msk [tilespmem:v7+s3+$0x0], $0xffff;
	[tilespmem:s18+$0x0] =	vst v9  }
0xb5: {  	s19 =	simm.s32 $0x0;
	s20 =	simm.s32 $0x1B7F0;
	v4 =	vld.idx.msk [tilespmem:v8+s3+$0x0], $0xffff;
	[tilespmem:s18+$0xFFFFFFA0] =	vst v10  }
.LBB2_14:
0xb6: {  	v6 =	vld [tilespmem:s20+$0x0];
	s19 =	sadd.s32 $0x8, s19;
	[tilespmem:s18+$0xFFFFFFB0] =	vst v5  }
0xb7: {  	v5 =	vld [tilespmem:s20+$0xFFFFFFA0];
	p0 =	slt.u32 s19, $0xF8;
	[tilespmem:s18+$0xFFFFFFC0] =	vst v3  }
0xb8: {  	v3 =	vld [tilespmem:s20+$0xFFFFFFB0];
	[tilespmem:s18+$0xFFFFFFD0] =	vst v0  }
0xb9: {  	v0 =	vld [tilespmem:s20+$0xFFFFFFC0];
	[tilespmem:s18+$0xFFFFFFE0] =	vst v1  }
0xba: {  	v1 =	vld [tilespmem:s20+$0xFFFFFFD0];
	[tilespmem:s18+$0xFFFFFFF0] =	vst v2  }
0xbb: {  	v2 =	vld [tilespmem:s20+$0xFFFFFFE0];
	[tilespmem:s18+$0xFFFFFF90] =	vst v4  }
0xbc: {  	v4 =	vld [tilespmem:s20+$0xFFFFFFF0]  }
0xbd: {  	v7 =	vld [tilespmem:s20+$0xFFFFFF90]  }
0xbe: {  	v6 =	vld.idx.msk [tilespmem:v6+s3+$0x0], $0xffff  }
0xbf: {  	v8 =	vld.idx.msk [tilespmem:v5+s3+$0x0], $0xffff  }
0xc0: {  	v5 =	vld.idx.msk [tilespmem:v3+s3+$0x0], $0xffff  }
.Ltmp6:
0xc1: {  	v3 =	vld.idx.msk [tilespmem:v0+s3+$0x0], $0xffff;
	(pc) =	sbr.rel @p0 .LBB2_14-.Ltmp6, $4  }
0xc2: {  	v0 =	vld.idx.msk [tilespmem:v1+s3+$0x0], $0xffff  }
0xc3: {  	s18 =	sadd.s32 $0x100, s18;
	v1 =	vld.idx.msk [tilespmem:v2+s3+$0x0], $0xffff  }
0xc4: {  	v2 =	vld.idx.msk [tilespmem:v4+s3+$0x0], $0xffff;
	[tilespmem:s18+$0x0] =	vst v6  }
0xc5: {  	s20 =	sadd.s32 $0x80, s20;
	v4 =	vld.idx.msk [tilespmem:v7+s3+$0x0], $0xffff;
	[tilespmem:s18+$0xFFFFFFA0] =	vst v8  }
0xc6: {  	[tilespmem:s18+$0xFFFFFFB0] =	vst v5  }
0xc7: {  	[tilespmem:s18+$0xFFFFFFC0] =	vst v3  }
0xc8: {  	[tilespmem:s18+$0xFFFFFFD0] =	vst v0  }
0xc9: {  	[tilespmem:s18+$0xFFFFFFE0] =	vst v1  }
0xca: {  	[tilespmem:s18+$0xFFFFFFF0] =	vst v2  }
0xcb: {  	[tilespmem:s18+$0xFFFFFF90] =	vst v4  }
0xcc: {  	_ =	swait.ge [sflag:s15], $0x1000  }
0xcd: {  	s19 =	simm.s32 $0x80;
	s21 =	sadd.s32 $0x0, s8;
	[sflag:s15] =	ssyncset.done $0x0  }
0xce: {  	s20 =	simm.s32 $0x1C880;
	s18 =	simm.s32 $0x1C780;
	[sflag:s15] =	ssyncadd.s32 $0xFFFFF000  }
.LBB2_16:
0xcf: {  	[hbm4b:s21+s3] =	stream.linear.scatter [tilespmem:s18], [sflag:$0x3], $0x80, $0x38;
	[tilespmem:$0x1E700] =	vst v63  }
0xd0: {  	s21 =	smov.u32 s19;
	s18 =	smov.u32 s20;
	p0 =	sne.s32 s19, $0xF80  }
.Ltmp7:
0xd1: {  	s19 =	sadd.s32 $0x80, s19;
	(pc) =	sbr.rel @p0 .LBB2_16-.Ltmp7, $2  }
0xd2: {  	_ =	sdelay $0x2  }
0xd3: {  	s20 =	sadd.s32 $0x100, s20;
	s21 =	sadd.s32 s21, s8  }
0xd4: {  	s17 =	sadd.s32 $0x1, s17  }
0xd5: {  	p0 =	sne.s32 s17, s9  }
.Ltmp8:
0xd6: {  	_ = 	snop;
	(pc) =	sbr.rel @p0 .LBB2_1-.Ltmp8, $4  }
0xd7: {  	[hbm4b:s21+s3] =	stream.linear.scatter [tilespmem:s18], [sflag:$0x3], $0x80, $0x38;
	[tilespmem:$0x1E700] =	vst v63  }
0xd8: {  	_ =	swait.ge [sflag:s16], $0x1000  }
0xd9: {  	[sflag:s16] =	ssyncset.done $0x0  }
0xda: {  	[sflag:s16] =	ssyncadd.s32 $0xFFFFF000  }
0xdb: {  	_ =	sfence.sel $0x180000  }
0xdc: {  	[bflag:$0x0] =	sbarrier.arrive $0xFFFF  }
0xdd: {  	p0 =	sne.s32 s2, $0x0;
	_ =	strace $0x90000047  }
0xde: {  	s0 =	sadd.s32 @!p0 $0x100000, s0;
	[bflag:$0x2] =	sbarrier.arrive $0xFFFF  }
0xdf: {  	[sflag:s0] =	ssyncadd.tile.s32 @!p0 $0x1;
	_ =	shalt  }
.Lfunc_end2:
_tile_overlayer_lowered:
.L_overlay_start_2:
0xe0: {  	(tag) =	ssettag $0x2  }
0xe1: {  	s0 =	rddreg [dreg:$0x0];
	s2 =	stileid.u32  }
0xe2: {  	s1 =	rddreg [dreg:$0x1];
	p0 =	sne.s32 s2, $0x0  }
0xe3: {  	s3 =	rddreg [dreg:$0x2];
	[bflag:$0x3] =	sbarrier.arrive $0xFFFF;
	s2 =	simm.s32 @!p0 $0x1C04  }
0xe4: {  	[timem:s3], [sflag:s2] =	dma.local @!p0 [hbm:s0], s1  }
0xe5: {  	s0 =	simm.s32 @!p0 $0x4  }
0xe6: {  	_ =	swait.ge @!p0 [sflag:s0], s1  }
0xe7: {  	s1 =	ssub.s32 @!p0 $0x0, s1;
	[sflag:s0] =	ssyncset.done @!p0 $0x0  }
0xe8: {  	[sflag:s0] =	ssyncadd.s32 @!p0 s1  }
0xe9: {  	[bflag:$0x3] =	sbarrier.arrive $0xFFFF  }
0xea: {  	_ =	shalt  }

</sc_bundles>
